<compile_context>
chip_gen: v7x
topology: tpu7x:2x2x1
jax: 0.10.2.dev20260603
libtpu: 0.0.44.dev20260713+nightly
codegen_flags: <defaults>
</compile_context>

<pallas_src>
import functools

import jax
import jax.numpy as jnp
from jax import lax
from jax.experimental import pallas as pl
from jax.experimental.pallas import tpu as pltpu
from jax.experimental.pallas import tpu_sc as plsc


def _route_body(T, E, K, ti_hbm, tw_hbm, cmb_hbm, ti_v, tw_v, row_v):
    c = lax.axis_index("c")
    s = lax.axis_index("s")

    @pl.when((c == 0) & (s < E))
    def _():
        e = s
        pltpu.sync_copy(ti_hbm, ti_v)
        pltpu.sync_copy(tw_hbm, tw_v)
        for i in range(T // 16):
            vals = jnp.zeros((16,), jnp.float32)
            for k in range(K):
                ids = ti_v[pl.ds(k * T + i * 16, 16)]
                tws = tw_v[pl.ds(k * T + i * 16, 16)]
                vals = vals + jnp.where(ids == e, tws, jnp.zeros((16,), jnp.float32))
            row_v[pl.ds(i * 16, 16)] = vals
        pltpu.sync_copy(row_v, cmb_hbm.at[pl.ds(e * T, T)])


def _route_combine_weights(topk_weights, topk_ids, T, E, K):
    mesh = plsc.VectorSubcoreMesh(core_axis_name="c", subcore_axis_name="s")
    route = functools.partial(
        pl.kernel,
        mesh=mesh,
        out_type=jax.ShapeDtypeStruct((E * T,), jnp.float32),
        scratch_types=[
            pltpu.VMEM((K * T,), jnp.int32),
            pltpu.VMEM((K * T,), jnp.float32),
            pltpu.VMEM((T,), jnp.float32),
        ],
    )(functools.partial(_route_body, T, E, K))
    cmb = route(topk_ids.T.reshape(-1), topk_weights.T.reshape(-1))
    return cmb.reshape(E, T)


def _ffn_body(x_ref, cmb_ref, wg_ref, wu_ref,
              w2a_ref, w2b_ref, w2c_ref, w2d_ref, out_ref):
    e = pl.program_id(0)
    Dq = w2a_ref.shape[1]

    @pl.when(e == 0)
    def _():
        out_ref[...] = jnp.zeros_like(out_ref)

    x = x_ref[...]

    def dott(a, b):
        return jax.lax.dot_general(a, b, (((1,), (1,)), ((), ())),
                                   preferred_element_type=jnp.float32)

    g = dott(x, wg_ref[0, 0])
    u = dott(x, wu_ref[0, 0])
    act = (g * jax.nn.sigmoid(g)) * u

    cmb = cmb_ref[...]
    erow = jax.lax.broadcasted_iota(jnp.int32, cmb.shape, 0)
    wvec = jnp.sum(jnp.where(erow == e, cmb, 0.0), axis=0)[:, None]

    for q, w2q in enumerate((w2a_ref, w2b_ref, w2c_ref, w2d_ref)):
        yq = dott(act, w2q[0])
        out_ref[:, q * Dq:(q + 1) * Dq] += wvec * yq


@jax.jit
def kernel(hidden_states, topk_weights, topk_ids, w1, w2):
    T, D = hidden_states.shape
    E = w1.shape[0]
    F = w1.shape[1] // 2
    K = topk_ids.shape[1]

    cmb = _route_combine_weights(topk_weights, topk_ids, T, E, K)

    w1r = w1.reshape(E, 2, F, D)

    grid = (E,)
    w1spec = lambda q: pl.BlockSpec((1, 1, F, D), lambda e, q=q: (e, q, 0, 0))
    w2spec = lambda q: pl.BlockSpec((1, D // 4, F), lambda e, q=q: (e, q, 0))
    out = pl.pallas_call(
        _ffn_body,
        grid=grid,
        in_specs=[
            pl.BlockSpec((T, D), lambda e: (0, 0)),
            pl.BlockSpec((E, T), lambda e: (0, 0)),
            w1spec(0), w1spec(1),
            w2spec(0), w2spec(1), w2spec(2), w2spec(3),
        ],
        out_specs=pl.BlockSpec((T, D), lambda e: (0, 0)),
        out_shape=jax.ShapeDtypeStruct((T, D), jnp.float32),
    )(hidden_states, cmb, w1r, w1r, w2, w2, w2, w2)
    return out

# --- scband reference (transcript-rebuilt; emitter-appended) ---
"""Pipeline reference for scband-qwen3-moe-afd-mlp-layer-22874995818758 (READ-ONLY COPY).

The authoritative reference and input builder live on the scoring server;
editing this copy changes nothing except your own understanding.
"""

import jax, jax.numpy as jnp
import numpy as np

T = 128      # tokens (decode batch 32 * q_len 4)
D = 1024     # hidden_size
F = 1024     # moe_intermediate_size per expert
E = 16       # num_experts
K = 2        # top_k


def setup_inputs(seed: int = 0) -> dict:
    key = jax.random.key(seed)
    k1, k2, k3, k4, k5 = jax.random.split(key, 5)
    hidden_states = jax.random.normal(k1, (T, D), dtype=jnp.float32)
    topk_weights = jax.random.uniform(k2, (T, K), dtype=jnp.float32)
    # normalize combine weights per token, as routers typically emit normalized top-k probs
    topk_weights = topk_weights / jnp.sum(topk_weights, axis=-1, keepdims=True)
    topk_ids = jax.random.randint(k3, (T, K), 0, E)
    # fused gate+up projection weights: w1[e] is [2*F, D]; down projection: w2[e] is [D, F]
    w1 = jax.random.normal(k4, (E, 2 * F, D), dtype=jnp.float32) * 0.02
    w2 = jax.random.normal(k5, (E, D, F), dtype=jnp.float32) * 0.02
    return {
        "hidden_states": hidden_states,
        "topk_weights": topk_weights,
        "topk_ids": topk_ids,
        "w1": w1,
        "w2": w2,
    }


def reference(hidden_states, topk_weights, topk_ids, w1, w2):
    # Fused MoE with SiGLU activation: for each routed (token, expert) pair,
    # out += weight * (silu(x @ Wg^T) * (x @ Wu^T)) @ Wd^T
    # Implemented as dense per-expert compute with routing-weight masking,
    # which is mathematically identical to sparse dispatch/combine.
    x = hidden_states
    out = jnp.zeros_like(x)
    for e in range(E):
        mask = (topk_ids == e).astype(x.dtype)          # [T, K]
        w = jnp.sum(topk_weights * mask, axis=-1)       # [T]
        h = x @ w1[e].T                                  # [T, 2F] fused gate+up
        gate = h[:, :F]
        up = h[:, F:]
        act = jax.nn.silu(gate) * up                     # SiGLU
        out = out + w[:, None] * (act @ w2[e].T)         # [T, D]
    return out

if __name__ == "__main__":
    import jax
    _d = setup_inputs()
    print(jax.jit(kernel)(*tuple(_d.values())))

</pallas_src>

<mosaic_0001>
#map = affine_map<(d0, d1) -> (0)>
module attributes {stable_mosaic.version = 14 : i64} {
  func.func @_route_body(%arg0: i32, %arg1: i32, %arg2: memref<256xi32, #tpu.memory_space<hbm>>, %arg3: memref<256xf32, #tpu.memory_space<hbm>>, %arg4: memref<2048xf32, #tpu.memory_space<hbm>>, %arg5: memref<256xi32, #tpu.memory_space<vmem>>, %arg6: memref<256xf32, #tpu.memory_space<vmem>>, %arg7: memref<128xf32, #tpu.memory_space<vmem>>) attributes {dimension_semantics = [#tpu.dimension_semantics<core_parallel>, #tpu.dimension_semantics<subcore_parallel>], iteration_bounds = array<i64: 2, 16>, scalar_prefetch = 0 : i64, scratch_operands = 3 : i64, tpu.core_type = #tpu.core_type<sc_vector_subcore>, window_params = [{transform_indices = #map}, {transform_indices = #map}, {transform_indices = #map}]} {
    %eq3A = arith.constant 0 : i32
    %eq3A_0 = arith.cmpi eq, %arg0, %eq3A : i32
    %lt3A = arith.constant 16 : i32
    %lt3A_1 = arith.cmpi slt, %arg1, %lt3A : i32
    %and3A = arith.andi %eq3A_0, %lt3A_1 : i1
    %convert_element_type3A = arith.extui %and3A : i1 to i32
    %cond3A = arith.constant 0 : i32
    %cond3A_2 = arith.cmpi ne, %convert_element_type3A, %cond3A : i32
    scf.if %cond3A_2 {
      "tpu.region"() ({
        %run_scoped3A = tpu.sem_alloc : memref<!tpu.dma_semaphore, #tpu.memory_space<semaphore_mem>>
        tpu.enqueue_dma source(%arg2 : memref<256xi32, #tpu.memory_space<hbm>>) target(%arg5 : memref<256xi32, #tpu.memory_space<vmem>>) target_semaphore(%run_scoped3A : memref<!tpu.dma_semaphore, #tpu.memory_space<semaphore_mem>>)
        tpu.wait_dma2 semaphore(%run_scoped3A : memref<!tpu.dma_semaphore, #tpu.memory_space<semaphore_mem>>) src(%arg2 : memref<256xi32, #tpu.memory_space<hbm>>) dst(%arg5 : memref<256xi32, #tpu.memory_space<vmem>>)
        tpu.yield
      }) : () -> ()
      "tpu.region"() ({
        %run_scoped3A = tpu.sem_alloc : memref<!tpu.dma_semaphore, #tpu.memory_space<semaphore_mem>>
        tpu.enqueue_dma source(%arg3 : memref<256xf32, #tpu.memory_space<hbm>>) target(%arg6 : memref<256xf32, #tpu.memory_space<vmem>>) target_semaphore(%run_scoped3A : memref<!tpu.dma_semaphore, #tpu.memory_space<semaphore_mem>>)
        tpu.wait_dma2 semaphore(%run_scoped3A : memref<!tpu.dma_semaphore, #tpu.memory_space<semaphore_mem>>) src(%arg3 : memref<256xf32, #tpu.memory_space<hbm>>) dst(%arg6 : memref<256xf32, #tpu.memory_space<vmem>>)
        tpu.yield
      }) : () -> ()
      %broadcast_in_dim3A = arith.constant 0.000000e+00 : f32
      %broadcast_in_dim3A_3 = vector.broadcast %broadcast_in_dim3A : f32 to vector<16xf32>
      %get3A = arith.constant 0 : index
      %get3A_4 = tpu.vector_load %arg5[%get3A] {strides = array<i32>} : memref<256xi32, #tpu.memory_space<vmem>>, vector<16xi32>,
      %get3A_5 = vector.shape_cast %get3A_4 : vector<16xi32> to vector<16xi32>
      %get3A_6 = arith.constant 0 : index
      %get3A_7 = tpu.vector_load %arg6[%get3A_6] {strides = array<i32>} : memref<256xf32, #tpu.memory_space<vmem>>, vector<16xf32>,
      %get3A_8 = vector.shape_cast %get3A_7 : vector<16xf32> to vector<16xf32>
      %eq3A_9 = vector.broadcast %arg1 : i32 to vector<16xi32>
      %eq3A_10 = arith.cmpi eq, %get3A_5, %eq3A_9 : vector<16xi32>
      %broadcast_in_dim3A_11 = arith.constant 0.000000e+00 : f32
      %broadcast_in_dim3A_12 = vector.broadcast %broadcast_in_dim3A_11 : f32 to vector<16xf32>
      %select_n3A = arith.select %eq3A_10, %get3A_8, %broadcast_in_dim3A_12 : vector<16xi1>, vector<16xf32>
      %add3A = arith.addf %broadcast_in_dim3A_3, %select_n3A : vector<16xf32>
      %get3A_13 = arith.constant 128 : index
      %get3A_14 = tpu.vector_load %arg5[%get3A_13] {strides = array<i32>} : memref<256xi32, #tpu.memory_space<vmem>>, vector<16xi32>,
      %get3A_15 = vector.shape_cast %get3A_14 : vector<16xi32> to vector<16xi32>
      %get3A_16 = arith.constant 128 : index
      %get3A_17 = tpu.vector_load %arg6[%get3A_16] {strides = array<i32>} : memref<256xf32, #tpu.memory_space<vmem>>, vector<16xf32>,
      %get3A_18 = vector.shape_cast %get3A_17 : vector<16xf32> to vector<16xf32>
      %eq3A_19 = vector.broadcast %arg1 : i32 to vector<16xi32>
      %eq3A_20 = arith.cmpi eq, %get3A_15, %eq3A_19 : vector<16xi32>
      %broadcast_in_dim3A_21 = arith.constant 0.000000e+00 : f32
      %broadcast_in_dim3A_22 = vector.broadcast %broadcast_in_dim3A_21 : f32 to vector<16xf32>
      %select_n3A_23 = arith.select %eq3A_20, %get3A_18, %broadcast_in_dim3A_22 : vector<16xi1>, vector<16xf32>
      %add3A_24 = arith.addf %add3A, %select_n3A_23 : vector<16xf32>
      %swap3A = arith.constant 0 : index
      %swap3A_25 = tpu.vector_load %arg7[%swap3A] {strides = array<i32>} : memref<128xf32, #tpu.memory_space<vmem>>, vector<16xf32>,
      %swap3A_26 = vector.shape_cast %swap3A_25 : vector<16xf32> to vector<16xf32>
      %swap3A_27 = vector.shape_cast %add3A_24 : vector<16xf32> to vector<16xf32>
      tpu.vector_store %arg7[%swap3A], %swap3A_27 {strides = array<i32>} : memref<128xf32, #tpu.memory_space<vmem>>, vector<16xf32>,
      %broadcast_in_dim3A_28 = arith.constant 0.000000e+00 : f32
      %broadcast_in_dim3A_29 = vector.broadcast %broadcast_in_dim3A_28 : f32 to vector<16xf32>
      %get3A_30 = arith.constant 16 : index
      %get3A_31 = tpu.vector_load %arg5[%get3A_30] {strides = array<i32>} : memref<256xi32, #tpu.memory_space<vmem>>, vector<16xi32>,
      %get3A_32 = vector.shape_cast %get3A_31 : vector<16xi32> to vector<16xi32>
      %get3A_33 = arith.constant 16 : index
      %get3A_34 = tpu.vector_load %arg6[%get3A_33] {strides = array<i32>} : memref<256xf32, #tpu.memory_space<vmem>>, vector<16xf32>,
      %get3A_35 = vector.shape_cast %get3A_34 : vector<16xf32> to vector<16xf32>
      %eq3A_36 = vector.broadcast %arg1 : i32 to vector<16xi32>
      %eq3A_37 = arith.cmpi eq, %get3A_32, %eq3A_36 : vector<16xi32>
      %broadcast_in_dim3A_38 = arith.constant 0.000000e+00 : f32
      %broadcast_in_dim3A_39 = vector.broadcast %broadcast_in_dim3A_38 : f32 to vector<16xf32>
      %select_n3A_40 = arith.select %eq3A_37, %get3A_35, %broadcast_in_dim3A_39 : vector<16xi1>, vector<16xf32>
      %add3A_41 = arith.addf %broadcast_in_dim3A_29, %select_n3A_40 : vector<16xf32>
      %get3A_42 = arith.constant 144 : index
      %get3A_43 = tpu.vector_load %arg5[%get3A_42] {strides = array<i32>} : memref<256xi32, #tpu.memory_space<vmem>>, vector<16xi32>,
      %get3A_44 = vector.shape_cast %get3A_43 : vector<16xi32> to vector<16xi32>
      %get3A_45 = arith.constant 144 : index
      %get3A_46 = tpu.vector_load %arg6[%get3A_45] {strides = array<i32>} : memref<256xf32, #tpu.memory_space<vmem>>, vector<16xf32>,
      %get3A_47 = vector.shape_cast %get3A_46 : vector<16xf32> to vector<16xf32>
      %eq3A_48 = vector.broadcast %arg1 : i32 to vector<16xi32>
      %eq3A_49 = arith.cmpi eq, %get3A_44, %eq3A_48 : vector<16xi32>
      %broadcast_in_dim3A_50 = arith.constant 0.000000e+00 : f32
      %broadcast_in_dim3A_51 = vector.broadcast %broadcast_in_dim3A_50 : f32 to vector<16xf32>
      %select_n3A_52 = arith.select %eq3A_49, %get3A_47, %broadcast_in_dim3A_51 : vector<16xi1>, vector<16xf32>
      %add3A_53 = arith.addf %add3A_41, %select_n3A_52 : vector<16xf32>
      %swap3A_54 = arith.constant 16 : index
      %swap3A_55 = tpu.vector_load %arg7[%swap3A_54] {strides = array<i32>} : memref<128xf32, #tpu.memory_space<vmem>>, vector<16xf32>,
      %swap3A_56 = vector.shape_cast %swap3A_55 : vector<16xf32> to vector<16xf32>
      %swap3A_57 = vector.shape_cast %add3A_53 : vector<16xf32> to vector<16xf32>
      tpu.vector_store %arg7[%swap3A_54], %swap3A_57 {strides = array<i32>} : memref<128xf32, #tpu.memory_space<vmem>>, vector<16xf32>,
      %broadcast_in_dim3A_58 = arith.constant 0.000000e+00 : f32
      %broadcast_in_dim3A_59 = vector.broadcast %broadcast_in_dim3A_58 : f32 to vector<16xf32>
      %get3A_60 = arith.constant 32 : index
      %get3A_61 = tpu.vector_load %arg5[%get3A_60] {strides = array<i32>} : memref<256xi32, #tpu.memory_space<vmem>>, vector<16xi32>,
      %get3A_62 = vector.shape_cast %get3A_61 : vector<16xi32> to vector<16xi32>
      %get3A_63 = arith.constant 32 : index
      %get3A_64 = tpu.vector_load %arg6[%get3A_63] {strides = array<i32>} : memref<256xf32, #tpu.memory_space<vmem>>, vector<16xf32>,
      %get3A_65 = vector.shape_cast %get3A_64 : vector<16xf32> to vector<16xf32>
      %eq3A_66 = vector.broadcast %arg1 : i32 to vector<16xi32>
      %eq3A_67 = arith.cmpi eq, %get3A_62, %eq3A_66 : vector<16xi32>
      %broadcast_in_dim3A_68 = arith.constant 0.000000e+00 : f32
      %broadcast_in_dim3A_69 = vector.broadcast %broadcast_in_dim3A_68 : f32 to vector<16xf32>
      %select_n3A_70 = arith.select %eq3A_67, %get3A_65, %broadcast_in_dim3A_69 : vector<16xi1>, vector<16xf32>
      %add3A_71 = arith.addf %broadcast_in_dim3A_59, %select_n3A_70 : vector<16xf32>
      %get3A_72 = arith.constant 160 : index
      %get3A_73 = tpu.vector_load %arg5[%get3A_72] {strides = array<i32>} : memref<256xi32, #tpu.memory_space<vmem>>, vector<16xi32>,
      %get3A_74 = vector.shape_cast %get3A_73 : vector<16xi32> to vector<16xi32>
      %get3A_75 = arith.constant 160 : index
      %get3A_76 = tpu.vector_load %arg6[%get3A_75] {strides = array<i32>} : memref<256xf32, #tpu.memory_space<vmem>>, vector<16xf32>,
      %get3A_77 = vector.shape_cast %get3A_76 : vector<16xf32> to vector<16xf32>
      %eq3A_78 = vector.broadcast %arg1 : i32 to vector<16xi32>
      %eq3A_79 = arith.cmpi eq, %get3A_74, %eq3A_78 : vector<16xi32>
      %broadcast_in_dim3A_80 = arith.constant 0.000000e+00 : f32
      %broadcast_in_dim3A_81 = vector.broadcast %broadcast_in_dim3A_80 : f32 to vector<16xf32>
      %select_n3A_82 = arith.select %eq3A_79, %get3A_77, %broadcast_in_dim3A_81 : vector<16xi1>, vector<16xf32>
      %add3A_83 = arith.addf %add3A_71, %select_n3A_82 : vector<16xf32>
      %swap3A_84 = arith.constant 32 : index
      %swap3A_85 = tpu.vector_load %arg7[%swap3A_84] {strides = array<i32>} : memref<128xf32, #tpu.memory_space<vmem>>, vector<16xf32>,
      %swap3A_86 = vector.shape_cast %swap3A_85 : vector<16xf32> to vector<16xf32>
      %swap3A_87 = vector.shape_cast %add3A_83 : vector<16xf32> to vector<16xf32>
      tpu.vector_store %arg7[%swap3A_84], %swap3A_87 {strides = array<i32>} : memref<128xf32, #tpu.memory_space<vmem>>, vector<16xf32>,
      %broadcast_in_dim3A_88 = arith.constant 0.000000e+00 : f32
      %broadcast_in_dim3A_89 = vector.broadcast %broadcast_in_dim3A_88 : f32 to vector<16xf32>
      %get3A_90 = arith.constant 48 : index
      %get3A_91 = tpu.vector_load %arg5[%get3A_90] {strides = array<i32>} : memref<256xi32, #tpu.memory_space<vmem>>, vector<16xi32>,
      %get3A_92 = vector.shape_cast %get3A_91 : vector<16xi32> to vector<16xi32>
      %get3A_93 = arith.constant 48 : index
      %get3A_94 = tpu.vector_load %arg6[%get3A_93] {strides = array<i32>} : memref<256xf32, #tpu.memory_space<vmem>>, vector<16xf32>,
      %get3A_95 = vector.shape_cast %get3A_94 : vector<16xf32> to vector<16xf32>
      %eq3A_96 = vector.broadcast %arg1 : i32 to vector<16xi32>
      %eq3A_97 = arith.cmpi eq, %get3A_92, %eq3A_96 : vector<16xi32>
      %broadcast_in_dim3A_98 = arith.constant 0.000000e+00 : f32
      %broadcast_in_dim3A_99 = vector.broadcast %broadcast_in_dim3A_98 : f32 to vector<16xf32>
      %select_n3A_100 = arith.select %eq3A_97, %get3A_95, %broadcast_in_dim3A_99 : vector<16xi1>, vector<16xf32>
      %add3A_101 = arith.addf %broadcast_in_dim3A_89, %select_n3A_100 : vector<16xf32>
      %get3A_102 = arith.constant 176 : index
      %get3A_103 = tpu.vector_load %arg5[%get3A_102] {strides = array<i32>} : memref<256xi32, #tpu.memory_space<vmem>>, vector<16xi32>,
      %get3A_104 = vector.shape_cast %get3A_103 : vector<16xi32> to vector<16xi32>
      %get3A_105 = arith.constant 176 : index
      %get3A_106 = tpu.vector_load %arg6[%get3A_105] {strides = array<i32>} : memref<256xf32, #tpu.memory_space<vmem>>, vector<16xf32>,
      %get3A_107 = vector.shape_cast %get3A_106 : vector<16xf32> to vector<16xf32>
      %eq3A_108 = vector.broadcast %arg1 : i32 to vector<16xi32>
      %eq3A_109 = arith.cmpi eq, %get3A_104, %eq3A_108 : vector<16xi32>
      %broadcast_in_dim3A_110 = arith.constant 0.000000e+00 : f32
      %broadcast_in_dim3A_111 = vector.broadcast %broadcast_in_dim3A_110 : f32 to vector<16xf32>
      %select_n3A_112 = arith.select %eq3A_109, %get3A_107, %broadcast_in_dim3A_111 : vector<16xi1>, vector<16xf32>
      %add3A_113 = arith.addf %add3A_101, %select_n3A_112 : vector<16xf32>
      %swap3A_114 = arith.constant 48 : index
      %swap3A_115 = tpu.vector_load %arg7[%swap3A_114] {strides = array<i32>} : memref<128xf32, #tpu.memory_space<vmem>>, vector<16xf32>,
      %swap3A_116 = vector.shape_cast %swap3A_115 : vector<16xf32> to vector<16xf32>
      %swap3A_117 = vector.shape_cast %add3A_113 : vector<16xf32> to vector<16xf32>
      tpu.vector_store %arg7[%swap3A_114], %swap3A_117 {strides = array<i32>} : memref<128xf32, #tpu.memory_space<vmem>>, vector<16xf32>,
      %broadcast_in_dim3A_118 = arith.constant 0.000000e+00 : f32
      %broadcast_in_dim3A_119 = vector.broadcast %broadcast_in_dim3A_118 : f32 to vector<16xf32>
      %get3A_120 = arith.constant 64 : index
      %get3A_121 = tpu.vector_load %arg5[%get3A_120] {strides = array<i32>} : memref<256xi32, #tpu.memory_space<vmem>>, vector<16xi32>,
      %get3A_122 = vector.shape_cast %get3A_121 : vector<16xi32> to vector<16xi32>
      %get3A_123 = arith.constant 64 : index
      %get3A_124 = tpu.vector_load %arg6[%get3A_123] {strides = array<i32>} : memref<256xf32, #tpu.memory_space<vmem>>, vector<16xf32>,
      %get3A_125 = vector.shape_cast %get3A_124 : vector<16xf32> to vector<16xf32>
      %eq3A_126 = vector.broadcast %arg1 : i32 to vector<16xi32>
      %eq3A_127 = arith.cmpi eq, %get3A_122, %eq3A_126 : vector<16xi32>
      %broadcast_in_dim3A_128 = arith.constant 0.000000e+00 : f32
      %broadcast_in_dim3A_129 = vector.broadcast %broadcast_in_dim3A_128 : f32 to vector<16xf32>
      %select_n3A_130 = arith.select %eq3A_127, %get3A_125, %broadcast_in_dim3A_129 : vector<16xi1>, vector<16xf32>
      %add3A_131 = arith.addf %broadcast_in_dim3A_119, %select_n3A_130 : vector<16xf32>
      %get3A_132 = arith.constant 192 : index
      %get3A_133 = tpu.vector_load %arg5[%get3A_132] {strides = array<i32>} : memref<256xi32, #tpu.memory_space<vmem>>, vector<16xi32>,
      %get3A_134 = vector.shape_cast %get3A_133 : vector<16xi32> to vector<16xi32>
      %get3A_135 = arith.constant 192 : index
      %get3A_136 = tpu.vector_load %arg6[%get3A_135] {strides = array<i32>} : memref<256xf32, #tpu.memory_space<vmem>>, vector<16xf32>,
      %get3A_137 = vector.shape_cast %get3A_136 : vector<16xf32> to vector<16xf32>
      %eq3A_138 = vector.broadcast %arg1 : i32 to vector<16xi32>
      %eq3A_139 = arith.cmpi eq, %get3A_134, %eq3A_138 : vector<16xi32>
      %broadcast_in_dim3A_140 = arith.constant 0.000000e+00 : f32
      %broadcast_in_dim3A_141 = vector.broadcast %broadcast_in_dim3A_140 : f32 to vector<16xf32>
      %select_n3A_142 = arith.select %eq3A_139, %get3A_137, %broadcast_in_dim3A_141 : vector<16xi1>, vector<16xf32>
      %add3A_143 = arith.addf %add3A_131, %select_n3A_142 : vector<16xf32>
      %swap3A_144 = arith.constant 64 : index
      %swap3A_145 = tpu.vector_load %arg7[%swap3A_144] {strides = array<i32>} : memref<128xf32, #tpu.memory_space<vmem>>, vector<16xf32>,
      %swap3A_146 = vector.shape_cast %swap3A_145 : vector<16xf32> to vector<16xf32>
      %swap3A_147 = vector.shape_cast %add3A_143 : vector<16xf32> to vector<16xf32>
      tpu.vector_store %arg7[%swap3A_144], %swap3A_147 {strides = array<i32>} : memref<128xf32, #tpu.memory_space<vmem>>, vector<16xf32>,
      %broadcast_in_dim3A_148 = arith.constant 0.000000e+00 : f32
      %broadcast_in_dim3A_149 = vector.broadcast %broadcast_in_dim3A_148 : f32 to vector<16xf32>
      %get3A_150 = arith.constant 80 : index
      %get3A_151 = tpu.vector_load %arg5[%get3A_150] {strides = array<i32>} : memref<256xi32, #tpu.memory_space<vmem>>, vector<16xi32>,
      %get3A_152 = vector.shape_cast %get3A_151 : vector<16xi32> to vector<16xi32>
      %get3A_153 = arith.constant 80 : index
      %get3A_154 = tpu.vector_load %arg6[%get3A_153] {strides = array<i32>} : memref<256xf32, #tpu.memory_space<vmem>>, vector<16xf32>,
      %get3A_155 = vector.shape_cast %get3A_154 : vector<16xf32> to vector<16xf32>
      %eq3A_156 = vector.broadcast %arg1 : i32 to vector<16xi32>
      %eq3A_157 = arith.cmpi eq, %get3A_152, %eq3A_156 : vector<16xi32>
      %broadcast_in_dim3A_158 = arith.constant 0.000000e+00 : f32
      %broadcast_in_dim3A_159 = vector.broadcast %broadcast_in_dim3A_158 : f32 to vector<16xf32>
      %select_n3A_160 = arith.select %eq3A_157, %get3A_155, %broadcast_in_dim3A_159 : vector<16xi1>, vector<16xf32>
      %add3A_161 = arith.addf %broadcast_in_dim3A_149, %select_n3A_160 : vector<16xf32>
      %get3A_162 = arith.constant 208 : index
      %get3A_163 = tpu.vector_load %arg5[%get3A_162] {strides = array<i32>} : memref<256xi32, #tpu.memory_space<vmem>>, vector<16xi32>,
      %get3A_164 = vector.shape_cast %get3A_163 : vector<16xi32> to vector<16xi32>
      %get3A_165 = arith.constant 208 : index
      %get3A_166 = tpu.vector_load %arg6[%get3A_165] {strides = array<i32>} : memref<256xf32, #tpu.memory_space<vmem>>, vector<16xf32>,
      %get3A_167 = vector.shape_cast %get3A_166 : vector<16xf32> to vector<16xf32>
      %eq3A_168 = vector.broadcast %arg1 : i32 to vector<16xi32>
      %eq3A_169 = arith.cmpi eq, %get3A_164, %eq3A_168 : vector<16xi32>
      %broadcast_in_dim3A_170 = arith.constant 0.000000e+00 : f32
      %broadcast_in_dim3A_171 = vector.broadcast %broadcast_in_dim3A_170 : f32 to vector<16xf32>
      %select_n3A_172 = arith.select %eq3A_169, %get3A_167, %broadcast_in_dim3A_171 : vector<16xi1>, vector<16xf32>
      %add3A_173 = arith.addf %add3A_161, %select_n3A_172 : vector<16xf32>
      %swap3A_174 = arith.constant 80 : index
      %swap3A_175 = tpu.vector_load %arg7[%swap3A_174] {strides = array<i32>} : memref<128xf32, #tpu.memory_space<vmem>>, vector<16xf32>,
      %swap3A_176 = vector.shape_cast %swap3A_175 : vector<16xf32> to vector<16xf32>
      %swap3A_177 = vector.shape_cast %add3A_173 : vector<16xf32> to vector<16xf32>
      tpu.vector_store %arg7[%swap3A_174], %swap3A_177 {strides = array<i32>} : memref<128xf32, #tpu.memory_space<vmem>>, vector<16xf32>,
      %broadcast_in_dim3A_178 = arith.constant 0.000000e+00 : f32
      %broadcast_in_dim3A_179 = vector.broadcast %broadcast_in_dim3A_178 : f32 to vector<16xf32>
      %get3A_180 = arith.constant 96 : index
      %get3A_181 = tpu.vector_load %arg5[%get3A_180] {strides = array<i32>} : memref<256xi32, #tpu.memory_space<vmem>>, vector<16xi32>,
      %get3A_182 = vector.shape_cast %get3A_181 : vector<16xi32> to vector<16xi32>
      %get3A_183 = arith.constant 96 : index
      %get3A_184 = tpu.vector_load %arg6[%get3A_183] {strides = array<i32>} : memref<256xf32, #tpu.memory_space<vmem>>, vector<16xf32>,
      %get3A_185 = vector.shape_cast %get3A_184 : vector<16xf32> to vector<16xf32>
      %eq3A_186 = vector.broadcast %arg1 : i32 to vector<16xi32>
      %eq3A_187 = arith.cmpi eq, %get3A_182, %eq3A_186 : vector<16xi32>
      %broadcast_in_dim3A_188 = arith.constant 0.000000e+00 : f32
      %broadcast_in_dim3A_189 = vector.broadcast %broadcast_in_dim3A_188 : f32 to vector<16xf32>
      %select_n3A_190 = arith.select %eq3A_187, %get3A_185, %broadcast_in_dim3A_189 : vector<16xi1>, vector<16xf32>
      %add3A_191 = arith.addf %broadcast_in_dim3A_179, %select_n3A_190 : vector<16xf32>
      %get3A_192 = arith.constant 224 : index
      %get3A_193 = tpu.vector_load %arg5[%get3A_192] {strides = array<i32>} : memref<256xi32, #tpu.memory_space<vmem>>, vector<16xi32>,
      %get3A_194 = vector.shape_cast %get3A_193 : vector<16xi32> to vector<16xi32>
      %get3A_195 = arith.constant 224 : index
      %get3A_196 = tpu.vector_load %arg6[%get3A_195] {strides = array<i32>} : memref<256xf32, #tpu.memory_space<vmem>>, vector<16xf32>,
      %get3A_197 = vector.shape_cast %get3A_196 : vector<16xf32> to vector<16xf32>
      %eq3A_198 = vector.broadcast %arg1 : i32 to vector<16xi32>
      %eq3A_199 = arith.cmpi eq, %get3A_194, %eq3A_198 : vector<16xi32>
      %broadcast_in_dim3A_200 = arith.constant 0.000000e+00 : f32
      %broadcast_in_dim3A_201 = vector.broadcast %broadcast_in_dim3A_200 : f32 to vector<16xf32>
      %select_n3A_202 = arith.select %eq3A_199, %get3A_197, %broadcast_in_dim3A_201 : vector<16xi1>, vector<16xf32>
      %add3A_203 = arith.addf %add3A_191, %select_n3A_202 : vector<16xf32>
      %swap3A_204 = arith.constant 96 : index
      %swap3A_205 = tpu.vector_load %arg7[%swap3A_204] {strides = array<i32>} : memref<128xf32, #tpu.memory_space<vmem>>, vector<16xf32>,
      %swap3A_206 = vector.shape_cast %swap3A_205 : vector<16xf32> to vector<16xf32>
      %swap3A_207 = vector.shape_cast %add3A_203 : vector<16xf32> to vector<16xf32>
      tpu.vector_store %arg7[%swap3A_204], %swap3A_207 {strides = array<i32>} : memref<128xf32, #tpu.memory_space<vmem>>, vector<16xf32>,
      %broadcast_in_dim3A_208 = arith.constant 0.000000e+00 : f32
      %broadcast_in_dim3A_209 = vector.broadcast %broadcast_in_dim3A_208 : f32 to vector<16xf32>
      %get3A_210 = arith.constant 112 : index
      %get3A_211 = tpu.vector_load %arg5[%get3A_210] {strides = array<i32>} : memref<256xi32, #tpu.memory_space<vmem>>, vector<16xi32>,
      %get3A_212 = vector.shape_cast %get3A_211 : vector<16xi32> to vector<16xi32>
      %get3A_213 = arith.constant 112 : index
      %get3A_214 = tpu.vector_load %arg6[%get3A_213] {strides = array<i32>} : memref<256xf32, #tpu.memory_space<vmem>>, vector<16xf32>,
      %get3A_215 = vector.shape_cast %get3A_214 : vector<16xf32> to vector<16xf32>
      %eq3A_216 = vector.broadcast %arg1 : i32 to vector<16xi32>
      %eq3A_217 = arith.cmpi eq, %get3A_212, %eq3A_216 : vector<16xi32>
      %broadcast_in_dim3A_218 = arith.constant 0.000000e+00 : f32
      %broadcast_in_dim3A_219 = vector.broadcast %broadcast_in_dim3A_218 : f32 to vector<16xf32>
      %select_n3A_220 = arith.select %eq3A_217, %get3A_215, %broadcast_in_dim3A_219 : vector<16xi1>, vector<16xf32>
      %add3A_221 = arith.addf %broadcast_in_dim3A_209, %select_n3A_220 : vector<16xf32>
      %get3A_222 = arith.constant 240 : index
      %get3A_223 = tpu.vector_load %arg5[%get3A_222] {strides = array<i32>} : memref<256xi32, #tpu.memory_space<vmem>>, vector<16xi32>,
      %get3A_224 = vector.shape_cast %get3A_223 : vector<16xi32> to vector<16xi32>
      %get3A_225 = arith.constant 240 : index
      %get3A_226 = tpu.vector_load %arg6[%get3A_225] {strides = array<i32>} : memref<256xf32, #tpu.memory_space<vmem>>, vector<16xf32>,
      %get3A_227 = vector.shape_cast %get3A_226 : vector<16xf32> to vector<16xf32>
      %eq3A_228 = vector.broadcast %arg1 : i32 to vector<16xi32>
      %eq3A_229 = arith.cmpi eq, %get3A_224, %eq3A_228 : vector<16xi32>
      %broadcast_in_dim3A_230 = arith.constant 0.000000e+00 : f32
      %broadcast_in_dim3A_231 = vector.broadcast %broadcast_in_dim3A_230 : f32 to vector<16xf32>
      %select_n3A_232 = arith.select %eq3A_229, %get3A_227, %broadcast_in_dim3A_231 : vector<16xi1>, vector<16xf32>
      %add3A_233 = arith.addf %add3A_221, %select_n3A_232 : vector<16xf32>
      %swap3A_234 = arith.constant 112 : index
      %swap3A_235 = tpu.vector_load %arg7[%swap3A_234] {strides = array<i32>} : memref<128xf32, #tpu.memory_space<vmem>>, vector<16xf32>,
      %swap3A_236 = vector.shape_cast %swap3A_235 : vector<16xf32> to vector<16xf32>
      %swap3A_237 = vector.shape_cast %add3A_233 : vector<16xf32> to vector<16xf32>
      tpu.vector_store %arg7[%swap3A_234], %swap3A_237 {strides = array<i32>} : memref<128xf32, #tpu.memory_space<vmem>>, vector<16xf32>,
      %mul3A = arith.constant 128 : i32
      %mul3A_238 = arith.muli %arg1, %mul3A : i32
      "tpu.region"() ({
        %run_scoped3A = tpu.sem_alloc : memref<!tpu.dma_semaphore, #tpu.memory_space<semaphore_mem>>
        %dma_start3A = tpu.memref_slice %arg4[%mul3A_238] : memref<2048xf32, #tpu.memory_space<hbm>> -> memref<128xf32, #tpu.memory_space<hbm>>
        %dma_start3A_239 = tpu.memref_slice %arg4[%mul3A_238] : memref<2048xf32, #tpu.memory_space<hbm>> -> memref<128xf32, #tpu.memory_space<hbm>>
        tpu.enqueue_dma source(%arg7 : memref<128xf32, #tpu.memory_space<vmem>>) target(%dma_start3A_239 : memref<128xf32, #tpu.memory_space<hbm>>) target_semaphore(%run_scoped3A : memref<!tpu.dma_semaphore, #tpu.memory_space<semaphore_mem>>)
        %dma_wait3A = tpu.memref_slice %arg4[%mul3A_238] : memref<2048xf32, #tpu.memory_space<hbm>> -> memref<128xf32, #tpu.memory_space<hbm>>
        %dma_wait3A_240 = tpu.memref_slice %arg4[%mul3A_238] : memref<2048xf32, #tpu.memory_space<hbm>> -> memref<128xf32, #tpu.memory_space<hbm>>
        tpu.wait_dma2 semaphore(%run_scoped3A : memref<!tpu.dma_semaphore, #tpu.memory_space<semaphore_mem>>) src(%arg7 : memref<128xf32, #tpu.memory_space<vmem>>) dst(%dma_wait3A_240 : memref<128xf32, #tpu.memory_space<hbm>>)
        tpu.yield
      }) : () -> ()
    } else {
    }
    return
  }
}

module attributes {stable_mosaic.version = 14 : i64} {
  func.func @_ffn_body(%arg0: i32, %arg1: memref<128x1024xf32, #tpu.memory_space<vmem>>, %arg2: memref<16x128xf32, #tpu.memory_space<vmem>>, %arg3: memref<1x1x1024x1024xf32, #tpu.memory_space<vmem>>, %arg4: memref<1x1x1024x1024xf32, #tpu.memory_space<vmem>>, %arg5: memref<1x256x1024xf32, #tpu.memory_space<vmem>>, %arg6: memref<1x256x1024xf32, #tpu.memory_space<vmem>>, %arg7: memref<1x256x1024xf32, #tpu.memory_space<vmem>>, %arg8: memref<1x256x1024xf32, #tpu.memory_space<vmem>>, %arg9: memref<128x1024xf32, #tpu.memory_space<vmem>>) attributes {dimension_semantics = [#tpu.dimension_semantics<arbitrary>], iteration_bounds = array<i64: 16>, scalar_prefetch = 0 : i64, scratch_operands = 0 : i64, tpu.core_type = #tpu.core_type<tc>, window_params = [{pipeline_mode = #tpu.pipeline_mode<synchronous>, transform_indices = @transform_0, window_bounds = array<i64: 128, 1024>}, {pipeline_mode = #tpu.pipeline_mode<synchronous>, transform_indices = @transform_1, window_bounds = array<i64: 16, 128>}, {transform_indices = @transform_2, window_bounds = array<i64: 1, 1, 1024, 1024>}, {transform_indices = @transform_3, window_bounds = array<i64: 1, 1, 1024, 1024>}, {transform_indices = @transform_4, window_bounds = array<i64: 1, 256, 1024>}, {transform_indices = @transform_5, window_bounds = array<i64: 1, 256, 1024>}, {transform_indices = @transform_6, window_bounds = array<i64: 1, 256, 1024>}, {transform_indices = @transform_7, window_bounds = array<i64: 1, 256, 1024>}, {pipeline_mode = #tpu.pipeline_mode<synchronous>, transform_indices = @transform_8, window_bounds = array<i64: 128, 1024>}]} {
    %eq3A = arith.constant 0 : i32
    %eq3A_0 = arith.cmpi eq, %arg0, %eq3A : i32
    %convert_element_type3A = arith.extui %eq3A_0 : i1 to i32
    %cond3A = arith.constant 0 : i32
    %cond3A_1 = arith.cmpi ne, %convert_element_type3A, %cond3A : i32
    scf.if %cond3A_1 {
      %broadcast_in_dim3A_94 = arith.constant 0.000000e+00 : f32
      %broadcast_in_dim3A_95 = vector.broadcast %broadcast_in_dim3A_94 : f32 to vector<128x1024xf32>
      %swap3A_96 = arith.constant 0 : index
      %swap3A_97 = arith.constant 0 : index
      %swap3A_98 = vector.load %arg9[%swap3A_96, %swap3A_97] : memref<128x1024xf32, #tpu.memory_space<vmem>>, vector<128x1024xf32>
      tpu.vector_store %arg9[%swap3A_96, %swap3A_97], %broadcast_in_dim3A_95 {strides = array<i32>} : memref<128x1024xf32, #tpu.memory_space<vmem>>, vector<128x1024xf32>,
    } else {
    }
    %get3A = arith.constant 0 : index
    %get3A_2 = arith.constant 0 : index
    %get3A_3 = vector.load %arg1[%get3A, %get3A_2] : memref<128x1024xf32, #tpu.memory_space<vmem>>, vector<128x1024xf32>
    %get3A_4 = arith.constant 0 : index
    %get3A_5 = arith.constant 0 : index
    %get3A_6 = arith.constant 0 : index
    %get3A_7 = arith.constant 0 : index
    %get3A_8 = vector.load %arg3[%get3A_4, %get3A_5, %get3A_6, %get3A_7] : memref<1x1x1024x1024xf32, #tpu.memory_space<vmem>>, vector<1x1x1024x1024xf32>
    %get3A_9 = vector.shape_cast %get3A_8 : vector<1x1x1024x1024xf32> to vector<1024x1024xf32>
    %dot_general3A = arith.constant dense<0.000000e+00> : vector<128x1024xf32>
    %dot_general3A_10 = tpu.matmul %get3A_3, %get3A_9, %dot_general3A {dimension_numbers = #tpu.dot_dimension_numbers<[1], [1], [0], [0], [0, 0, 1, 0], [], []>, transpose_lhs_hint = false} : vector<128x1024xf32>, vector<1024x1024xf32>, vector<128x1024xf32> -> vector<128x1024xf32>
    %get3A_11 = arith.constant 0 : index
    %get3A_12 = arith.constant 0 : index
    %get3A_13 = arith.constant 0 : index
    %get3A_14 = arith.constant 0 : index
    %get3A_15 = vector.load %arg4[%get3A_11, %get3A_12, %get3A_13, %get3A_14] : memref<1x1x1024x1024xf32, #tpu.memory_space<vmem>>, vector<1x1x1024x1024xf32>
    %get3A_16 = vector.shape_cast %get3A_15 : vector<1x1x1024x1024xf32> to vector<1024x1024xf32>
    %dot_general3A_17 = arith.constant dense<0.000000e+00> : vector<128x1024xf32>
    %dot_general3A_18 = tpu.matmul %get3A_3, %get3A_16, %dot_general3A_17 {dimension_numbers = #tpu.dot_dimension_numbers<[1], [1], [0], [0], [0, 0, 1, 0], [], []>, transpose_lhs_hint = false} : vector<128x1024xf32>, vector<1024x1024xf32>, vector<128x1024xf32> -> vector<128x1024xf32>
    %logistic3A = arith.negf %dot_general3A_10 : vector<128x1024xf32>
    %logistic3A_19 = math.exp %logistic3A : vector<128x1024xf32>
    %logistic3A_20 = arith.constant 1.000000e+00 : f32
    %logistic3A_21 = vector.broadcast %logistic3A_20 : f32 to vector<128x1024xf32>
    %logistic3A_22 = arith.addf %logistic3A_21, %logistic3A_19 : vector<128x1024xf32>
    %logistic3A_23 = arith.divf %logistic3A_21, %logistic3A_22 : vector<128x1024xf32>
    %mul3A = arith.mulf %dot_general3A_10, %logistic3A_23 : vector<128x1024xf32>
    %mul3A_24 = arith.mulf %mul3A, %dot_general3A_18 : vector<128x1024xf32>
    %get3A_25 = arith.constant 0 : index
    %get3A_26 = arith.constant 0 : index
    %get3A_27 = vector.load %arg2[%get3A_25, %get3A_26] : memref<16x128xf32, #tpu.memory_space<vmem>>, vector<16x128xf32>
    %iota3A = tpu.iota {dimensions = array<i32: 0>} : vector<16x128xi32>
    %eq3A_28 = vector.broadcast %arg0 : i32 to vector<16x128xi32>
    %eq3A_29 = arith.cmpi eq, %iota3A, %eq3A_28 : vector<16x128xi32>
    %jit3A = arith.constant 0.000000e+00 : f32
    %broadcast_in_dim3A = vector.broadcast %jit3A : f32 to vector<16x128xf32>
    %select_n3A = arith.select %eq3A_29, %get3A_27, %broadcast_in_dim3A : vector<16x128xi1>, vector<16x128xf32>
    %reduce_sum3A = arith.constant dense<0.000000e+00> : vector<128xf32>
    %reduce_sum3A_30 = vector.multi_reduction <add>, %select_n3A, %reduce_sum3A [0] : vector<16x128xf32> to vector<128xf32>
    %broadcast_in_dim3A_31 = vector.shape_cast %reduce_sum3A_30 : vector<128xf32> to vector<128x1xf32>
    %get3A_32 = arith.constant 0 : index
    %get3A_33 = arith.constant 0 : index
    %get3A_34 = arith.constant 0 : index
    %get3A_35 = vector.load %arg5[%get3A_32, %get3A_33, %get3A_34] : memref<1x256x1024xf32, #tpu.memory_space<vmem>>, vector<1x256x1024xf32>
    %get3A_36 = vector.shape_cast %get3A_35 : vector<1x256x1024xf32> to vector<256x1024xf32>
    %dot_general3A_37 = arith.constant dense<0.000000e+00> : vector<128x256xf32>
    %dot_general3A_38 = tpu.matmul %mul3A_24, %get3A_36, %dot_general3A_37 {dimension_numbers = #tpu.dot_dimension_numbers<[1], [1], [0], [0], [0, 0, 1, 0], [], []>, transpose_lhs_hint = false} : vector<128x1024xf32>, vector<256x1024xf32>, vector<128x256xf32> -> vector<128x256xf32>
    %get3A_39 = arith.constant 0 : index
    %get3A_40 = arith.constant 0 : index
    %get3A_41 = vector.load %arg9[%get3A_39, %get3A_40] : memref<128x1024xf32, #tpu.memory_space<vmem>>, vector<128x256xf32>
    %mul3A_42 = vector.broadcast %broadcast_in_dim3A_31 : vector<128x1xf32> to vector<128x256xf32>
    %mul3A_43 = arith.mulf %mul3A_42, %dot_general3A_38 : vector<128x256xf32>
    %add3A = arith.addf %get3A_41, %mul3A_43 : vector<128x256xf32>
    %swap3A = arith.constant 0 : index
    %swap3A_44 = arith.constant 0 : index
    %swap3A_45 = vector.load %arg9[%swap3A, %swap3A_44] : memref<128x1024xf32, #tpu.memory_space<vmem>>, vector<128x256xf32>
    tpu.vector_store %arg9[%swap3A, %swap3A_44], %add3A {strides = array<i32>} : memref<128x1024xf32, #tpu.memory_space<vmem>>, vector<128x256xf32>,
    %get3A_46 = arith.constant 0 : index
    %get3A_47 = arith.constant 0 : index
    %get3A_48 = arith.constant 0 : index
    %get3A_49 = vector.load %arg6[%get3A_46, %get3A_47, %get3A_48] : memref<1x256x1024xf32, #tpu.memory_space<vmem>>, vector<1x256x1024xf32>
    %get3A_50 = vector.shape_cast %get3A_49 : vector<1x256x1024xf32> to vector<256x1024xf32>
    %dot_general3A_51 = arith.constant dense<0.000000e+00> : vector<128x256xf32>
    %dot_general3A_52 = tpu.matmul %mul3A_24, %get3A_50, %dot_general3A_51 {dimension_numbers = #tpu.dot_dimension_numbers<[1], [1], [0], [0], [0, 0, 1, 0], [], []>, transpose_lhs_hint = false} : vector<128x1024xf32>, vector<256x1024xf32>, vector<128x256xf32> -> vector<128x256xf32>
    %get3A_53 = arith.constant 0 : index
    %get3A_54 = arith.constant 256 : index
    %get3A_55 = vector.load %arg9[%get3A_53, %get3A_54] : memref<128x1024xf32, #tpu.memory_space<vmem>>, vector<128x256xf32>
    %mul3A_56 = vector.broadcast %broadcast_in_dim3A_31 : vector<128x1xf32> to vector<128x256xf32>
    %mul3A_57 = arith.mulf %mul3A_56, %dot_general3A_52 : vector<128x256xf32>
    %add3A_58 = arith.addf %get3A_55, %mul3A_57 : vector<128x256xf32>
    %swap3A_59 = arith.constant 0 : index
    %swap3A_60 = arith.constant 256 : index
    %swap3A_61 = vector.load %arg9[%swap3A_59, %swap3A_60] : memref<128x1024xf32, #tpu.memory_space<vmem>>, vector<128x256xf32>
    tpu.vector_store %arg9[%swap3A_59, %swap3A_60], %add3A_58 {strides = array<i32>} : memref<128x1024xf32, #tpu.memory_space<vmem>>, vector<128x256xf32>,
    %get3A_62 = arith.constant 0 : index
    %get3A_63 = arith.constant 0 : index
    %get3A_64 = arith.constant 0 : index
    %get3A_65 = vector.load %arg7[%get3A_62, %get3A_63, %get3A_64] : memref<1x256x1024xf32, #tpu.memory_space<vmem>>, vector<1x256x1024xf32>
    %get3A_66 = vector.shape_cast %get3A_65 : vector<1x256x1024xf32> to vector<256x1024xf32>
    %dot_general3A_67 = arith.constant dense<0.000000e+00> : vector<128x256xf32>
    %dot_general3A_68 = tpu.matmul %mul3A_24, %get3A_66, %dot_general3A_67 {dimension_numbers = #tpu.dot_dimension_numbers<[1], [1], [0], [0], [0, 0, 1, 0], [], []>, transpose_lhs_hint = false} : vector<128x1024xf32>, vector<256x1024xf32>, vector<128x256xf32> -> vector<128x256xf32>
    %get3A_69 = arith.constant 0 : index
    %get3A_70 = arith.constant 512 : index
    %get3A_71 = vector.load %arg9[%get3A_69, %get3A_70] : memref<128x1024xf32, #tpu.memory_space<vmem>>, vector<128x256xf32>
    %mul3A_72 = vector.broadcast %broadcast_in_dim3A_31 : vector<128x1xf32> to vector<128x256xf32>
    %mul3A_73 = arith.mulf %mul3A_72, %dot_general3A_68 : vector<128x256xf32>
    %add3A_74 = arith.addf %get3A_71, %mul3A_73 : vector<128x256xf32>
    %swap3A_75 = arith.constant 0 : index
    %swap3A_76 = arith.constant 512 : index
    %swap3A_77 = vector.load %arg9[%swap3A_75, %swap3A_76] : memref<128x1024xf32, #tpu.memory_space<vmem>>, vector<128x256xf32>
    tpu.vector_store %arg9[%swap3A_75, %swap3A_76], %add3A_74 {strides = array<i32>} : memref<128x1024xf32, #tpu.memory_space<vmem>>, vector<128x256xf32>,
    %get3A_78 = arith.constant 0 : index
    %get3A_79 = arith.constant 0 : index
    %get3A_80 = arith.constant 0 : index
    %get3A_81 = vector.load %arg8[%get3A_78, %get3A_79, %get3A_80] : memref<1x256x1024xf32, #tpu.memory_space<vmem>>, vector<1x256x1024xf32>
    %get3A_82 = vector.shape_cast %get3A_81 : vector<1x256x1024xf32> to vector<256x1024xf32>
    %dot_general3A_83 = arith.constant dense<0.000000e+00> : vector<128x256xf32>
    %dot_general3A_84 = tpu.matmul %mul3A_24, %get3A_82, %dot_general3A_83 {dimension_numbers = #tpu.dot_dimension_numbers<[1], [1], [0], [0], [0, 0, 1, 0], [], []>, transpose_lhs_hint = false} : vector<128x1024xf32>, vector<256x1024xf32>, vector<128x256xf32> -> vector<128x256xf32>
    %get3A_85 = arith.constant 0 : index
    %get3A_86 = arith.constant 768 : index
    %get3A_87 = vector.load %arg9[%get3A_85, %get3A_86] : memref<128x1024xf32, #tpu.memory_space<vmem>>, vector<128x256xf32>
    %mul3A_88 = vector.broadcast %broadcast_in_dim3A_31 : vector<128x1xf32> to vector<128x256xf32>
    %mul3A_89 = arith.mulf %mul3A_88, %dot_general3A_84 : vector<128x256xf32>
    %add3A_90 = arith.addf %get3A_87, %mul3A_89 : vector<128x256xf32>
    %swap3A_91 = arith.constant 0 : index
    %swap3A_92 = arith.constant 768 : index
    %swap3A_93 = vector.load %arg9[%swap3A_91, %swap3A_92] : memref<128x1024xf32, #tpu.memory_space<vmem>>, vector<128x256xf32>
    tpu.vector_store %arg9[%swap3A_91, %swap3A_92], %add3A_90 {strides = array<i32>} : memref<128x1024xf32, #tpu.memory_space<vmem>>, vector<128x256xf32>,
    return
  }
  func.func @transform_0(%arg0: i32) -> (i32, i32) {
    %c0_i32 = arith.constant 0 : i32
    %c0_i32_0 = arith.constant 0 : i32
    %c0_i32_1 = arith.constant 0 : i32
    return %c0_i32, %c0_i32_0 : i32, i32
  }
  func.func @transform_1(%arg0: i32) -> (i32, i32) {
    %c0_i32 = arith.constant 0 : i32
    %c0_i32_0 = arith.constant 0 : i32
    %c0_i32_1 = arith.constant 0 : i32
    return %c0_i32, %c0_i32_0 : i32, i32
  }
  func.func @transform_2(%arg0: i32) -> (i32, i32, i32, i32) {
    %c0_i32 = arith.constant 0 : i32
    %c0_i32_0 = arith.constant 0 : i32
    %c0_i32_1 = arith.constant 0 : i32
    %c0_i32_2 = arith.constant 0 : i32
    return %arg0, %c0_i32, %c0_i32_0, %c0_i32_1 : i32, i32, i32, i32
  }
  func.func @transform_3(%arg0: i32) -> (i32, i32, i32, i32) {
    %c1_i32 = arith.constant 1 : i32
    %c0_i32 = arith.constant 0 : i32
    %c0_i32_0 = arith.constant 0 : i32
    %c0_i32_1 = arith.constant 0 : i32
    return %arg0, %c1_i32, %c0_i32, %c0_i32_0 : i32, i32, i32, i32
  }
  func.func @transform_4(%arg0: i32) -> (i32, i32, i32) {
    %c0_i32 = arith.constant 0 : i32
    %c0_i32_0 = arith.constant 0 : i32
    %c0_i32_1 = arith.constant 0 : i32
    return %arg0, %c0_i32, %c0_i32_0 : i32, i32, i32
  }
  func.func @transform_5(%arg0: i32) -> (i32, i32, i32) {
    %c1_i32 = arith.constant 1 : i32
    %c0_i32 = arith.constant 0 : i32
    %c0_i32_0 = arith.constant 0 : i32
    return %arg0, %c1_i32, %c0_i32 : i32, i32, i32
  }
  func.func @transform_6(%arg0: i32) -> (i32, i32, i32) {
    %c2_i32 = arith.constant 2 : i32
    %c0_i32 = arith.constant 0 : i32
    %c0_i32_0 = arith.constant 0 : i32
    return %arg0, %c2_i32, %c0_i32 : i32, i32, i32
  }
  func.func @transform_7(%arg0: i32) -> (i32, i32, i32) {
    %c3_i32 = arith.constant 3 : i32
    %c0_i32 = arith.constant 0 : i32
    %c0_i32_0 = arith.constant 0 : i32
    return %arg0, %c3_i32, %c0_i32 : i32, i32, i32
  }
  func.func @transform_8(%arg0: i32) -> (i32, i32) {
    %c0_i32 = arith.constant 0 : i32
    %c0_i32_0 = arith.constant 0 : i32
    %c0_i32_1 = arith.constant 0 : i32
    return %c0_i32, %c0_i32_0 : i32, i32
  }
}

</mosaic_0001>

<sc_bundles>
// kernel: kernel.4.cloned.1.call-start
scs
__scs_entry_jumppad:
0x0: {  	(pc) =	sbr.rel $0x88, $3  }
0x1: {  	(tag) =	ssettag $0x0;
	lr =	simm.s32 $0x1  }
0x2: {  	[smem:$0x3F9C] =	sst lr;
	_ =	strace $0xD0000000  }
0x3: {  	_ = 	snop  }
0x4: {  	_ = 	snop  }
0x5: {  	_ = 	snop  }
0x6: {  	_ = 	snop  }
0x7: {  	_ = 	snop  }
__scs_overlays_trampoline_lowered:
0x8: {  	[smem:$0x3FAB] =	sst s0  }
0x9: {  	[smem:$0x3FAC] =	sst s1  }
0xa: {  	[smem:$0x3FAD] =	sst s2  }
0xb: {  	[smem:$0x3FAE] =	sst s3  }
0xc: {  	[smem:$0x3FAF] =	sst s4  }
0xd: {  	[smem:$0x3FB0] =	sst s5  }
0xe: {  	[smem:$0x3FB1] =	sst s6  }
0xf: {  	[smem:$0x3FB2] =	sst s7  }
0x10: {  	[smem:$0x3FB3] =	sst s8  }
0x11: {  	[smem:$0x3FB4] =	sst s9;
	s0 =	simm.s32 @!p0 $0x0  }
0x12: {  	s1 =	sld [smem:$0x3F9A];
	s0 =	simm.s32 @p0 $0x1  }
0x13: {  	[smem:$0x3FB5] =	sst s0;
	s0 =	simm.s32 @!p1 $0x0  }
0x14: {  	s2 =	sld [smem:$0x3F99];
	s0 =	simm.s32 @p1 $0x1  }
0x15: {  	[smem:$0x3FB6] =	sst s0;
	s0 =	simm.s32 @!p2 $0x0  }
0x16: {  	s3 =	sld [smem:$0x3FDB];
	s0 =	simm.s32 @p2 $0x1  }
0x17: {  	s4 =	simm.s32 $0x1BF5;
	[smem:$0x3FB8] =	sst s0  }
0x18: {  	s0 =	sld [smem:$0x3F9B];
	_ =	swait.ge [sflag:s4], $0x0  }
0x19: {  	s7 =	sld [smem:$0x3F9C]  }
0x1a: {  	s8 =	sadd.s32 $0xFFFFE003, lr  }
0x1b: {  	s9 =	sadd.s32 $0xFFFFFEF7, lr;
	s5 =	simm.s32 $0xFFFFFFFF;
	p2 =	slt.u32 s8, $0xFFFFF086  }
0x1c: {  	p1 =	slt.u32 s9, $0xF7A;
	s5 =	simm.s32 @!p2 $0x0  }
0x1d: {  	s5 =	simm.s32 @p1 $0x1;
	p0 =	seq.s32 s7, s2  }
0x1e: {  	s7 =	smul.u32 @!p0 $0xF7A, s2;
	p2 =	seq.s32 @!p0 s5, $0x0  }
0x1f: {  	s9 =	smul.u32 $0xF7A, s1;
	s8 =	simm.s32 @!p0 $0x1BF5;
	p2 =	por !p2, p0  }
0x20: {  	[sflag:s8] =	ssyncset.s32 @!p0 $0xFFFFF086;
	s6 =	sadd.s32 @!p0 s3, s7;
	s7 =	simm.s32 @!p0 $0x108  }
0x21: {  	s3 =	sadd.s32 s3, s9;
	s6 =	sadd.s32 @!p0 $0x88, s6;
	s7 =	simm.s32 @p2 $0x1082  }
0x22: {  	[simem:s7], [sflag:s8] =	dma.local @!p0 [hbm:s6], $0xF7A  }
0x23: {  	s9 =	sor.u32 $0xD0000000, s2;
	s6 =	simm.s32 $0x108;
	_ =	swait.ge @!p0 [sflag:s8], $0x0  }
0x24: {  	s3 =	sadd.s32 $0x88, s3;
	s6 =	simm.s32 @!p1 $0x1082;
	[sflag:s4] =	ssyncset.s32 $0xFFFFF086  }
0x25: {  	[simem:s6], [sflag:s4] =	dma.local [hbm:s3], $0xF7A  }
0x26: {  	[smem:$0x3F9C] =	sst s1;
	(tag) =	ssettag s2;
	_ =	strace s9  }
0x27: {  	s1 =	sld [smem:$0x3FAC]  }
0x28: {  	s2 =	sld [smem:$0x3FAD]  }
0x29: {  	s4 =	sld [smem:$0x3FAF]  }
0x2a: {  	p0 =	seq.s32 s5, $0x0;
	s5 =	sld [smem:$0x3FB0]  }
0x2b: {  	s6 =	sld [smem:$0x3FB1]  }
0x2c: {  	s7 =	sld [smem:$0x3FB2]  }
0x2d: {  	s3 =	simm.s32 $0x108;
	s8 =	sld [smem:$0x3FB3]  }
0x2e: {  	s3 =	simm.s32 @!p0 $0x1082;
	s9 =	sld [smem:$0x3FB4]  }
0x2f: {  	lr =	sadd.s32 s0, s3;
	s0 =	sld [smem:$0x3FAB]  }
0x30: {  	s3 =	sld [smem:$0x3FAE]  }
0x31: {  	[smem:$0x3FB7] =	sst s10  }
0x32: {  	s10 =	sld [smem:$0x3FB5];
	_ =	sdelay $0x3  }
0x33: {  	p0 =	seq.s32 s10, $0x1;
	s10 =	sld [smem:$0x3FB7];
	_ =	sdelay $0x3  }
0x34: {  	[smem:$0x3FB7] =	sst s10  }
0x35: {  	s10 =	sld [smem:$0x3FB6];
	_ =	sdelay $0x3  }
0x36: {  	p1 =	seq.s32 s10, $0x1;
	s10 =	sld [smem:$0x3FB7];
	_ =	sdelay $0x3  }
0x37: {  	[smem:$0x3FB7] =	sst s10  }
0x38: {  	s10 =	sld [smem:$0x3FB8]  }
0x39: {  	_ = 	snop;
	(pc) =	sbr.ind lr, $3  }
0x3a: {  	_ = 	snop  }
0x3b: {  	_ = 	snop  }
0x3c: {  	p2 =	seq.s32 s10, $0x1;
	s10 =	sld [smem:$0x3FB7]  }
0x3d: {  	_ =	shalt  }
0x3e: {  	_ =	shalt  }
0x3f: {  	_ =	shalt  }
0x40: {  	_ =	shalt  }
0x41: {  	_ =	shalt  }
0x42: {  	_ =	shalt  }
0x43: {  	_ =	shalt  }
0x44: {  	_ =	shalt  }
0x45: {  	_ =	shalt  }
0x46: {  	_ =	shalt  }
0x47: {  	_ =	shalt  }
0x48: {  	_ =	shalt  }
0x49: {  	_ =	shalt  }
0x4a: {  	_ =	shalt  }
0x4b: {  	_ =	shalt  }
0x4c: {  	_ =	shalt  }
0x4d: {  	_ =	shalt  }
0x4e: {  	_ =	shalt  }
0x4f: {  	_ =	shalt  }
0x50: {  	_ =	shalt  }
0x51: {  	_ =	shalt  }
0x52: {  	_ =	shalt  }
0x53: {  	_ =	shalt  }
0x54: {  	_ =	shalt  }
0x55: {  	_ =	shalt  }
0x56: {  	_ =	shalt  }
0x57: {  	_ =	shalt  }
0x58: {  	_ =	shalt  }
0x59: {  	_ =	shalt  }
0x5a: {  	_ =	shalt  }
0x5b: {  	_ =	shalt  }
0x5c: {  	_ =	shalt  }
0x5d: {  	_ =	shalt  }
0x5e: {  	_ =	shalt  }
0x5f: {  	_ =	shalt  }
0x60: {  	_ =	shalt  }
0x61: {  	_ =	shalt  }
0x62: {  	_ =	shalt  }
0x63: {  	_ =	shalt  }
0x64: {  	_ =	shalt  }
0x65: {  	_ =	shalt  }
0x66: {  	_ =	shalt  }
0x67: {  	_ =	shalt  }
0x68: {  	_ =	shalt  }
0x69: {  	_ =	shalt  }
0x6a: {  	_ =	shalt  }
0x6b: {  	_ =	shalt  }
0x6c: {  	_ =	shalt  }
0x6d: {  	_ =	shalt  }
0x6e: {  	_ =	shalt  }
0x6f: {  	_ =	shalt  }
0x70: {  	_ =	shalt  }
0x71: {  	_ =	shalt  }
0x72: {  	_ =	shalt  }
0x73: {  	_ =	shalt  }
0x74: {  	_ =	shalt  }
0x75: {  	_ =	shalt  }
0x76: {  	_ =	shalt  }
0x77: {  	_ =	shalt  }
0x78: {  	_ =	shalt  }
0x79: {  	_ =	shalt  }
0x7a: {  	_ =	shalt  }
0x7b: {  	_ =	shalt  }
0x7c: {  	_ =	shalt  }
0x7d: {  	_ =	shalt  }
0x7e: {  	_ =	shalt  }
0x7f: {  	_ =	shalt  }
0x80: {  	_ =	shalt  }
0x81: {  	_ =	shalt  }
0x82: {  	_ =	shalt  }
0x83: {  	_ =	shalt  }
0x84: {  	_ =	shalt  }
0x85: {  	_ =	shalt  }
0x86: {  	_ =	shalt  }
0x87: {  	_ =	shalt  }
.Lfunc_end0:
.L_simem_size_0:
called_computation_lowered:
.L_overlay_start_0:
0x88: {  	s2 =	sld [smem:$0x3FD9]  }
0x89: {  	s3 =	sld [smem:$0x3FFE];
	_ =	sdelay $0x1  }
0x8a: {  	s1 =	srdreg.scid  }
0x8b: {  	s0 =	sand.u32 $0x1, s1  }
0x8c: {  	s18 =	sshll.u32 s0, $0xA;
	s2 =	sadd.s32 s3, s2  }
0x8d: {  	s2 =	sadd.s32 s2, s18  }
0x8e: {  	[smem:$0x3FC3] =	sst s2  }
0x8f: {  	_ = 	snop  }
0x90: {  	s2 =	sld [smem:$0x3FC8]  }
0x91: {  	s19 =	sld [smem:$0x3FC7]  }
0x92: {  	s4 =	sld [smem:$0x3FD0];
	(tm) =	ssettm $0x1  }
0x93: {  	s5 =	sld [smem:$0x3FFB];
	_ =	sdelay $0x3  }
0x94: {  	_ =	strace s5  }
0x95: {  	s5 =	sld [smem:$0x3FFC];
	_ =	sdelay $0x3  }
0x96: {  	_ =	strace s5  }
0x97: {  	s5 =	sld [smem:$0x3FFD];
	_ =	sdelay $0x3  }
0x98: {  	_ =	strace s5  }
0x99: {  	_ =	strace $0x8FFFFFFF  }
0x9a: {  	s20 =	sld [smem:$0x3FDB];
	_ =	sdelay $0x1  }
0x9b: {  	s6 =	simm.s32 $_scs_section_size  }
0x9c: {  	s7 =	simm.s32 $_size__tile_overlayer_lowered;
	s8 =	simm.s32 $_tile_overlayer_lowered  }
0x9d: {  	s23 =	simm.s32 $0x1BFF;
	s22 =	sshll.u32 s8, $0x1;
	s5 =	sadd.s32 s6, s20  }
0x9e: {  	s9 =	simm.s32 $0x0;
	s21 =	sshll.u32 s7, $0x1;
	s7 =	sadd.s32 s22, s5  }
0x9f: {  	[timem:s9], [sflag:s23] =	dma.local [hbm:s7], s21  }
0xa0: {  	_ =	swait.ge [sflag:s23], s21  }
0xa1: {  	s6 =	ssub.s32 $0x0, s21;
	[sflag:s23] =	ssyncset.done $0x0  }
0xa2: {  	[sflag:s23] =	ssyncadd.s32 s6;
	_ =	sdelay $0x1  }
0xa3: {  	s24 =	simm.s32 $0x1B8B  }
0xa4: {  	_ =	swait.ge [sflag:s24], $0x1  }
0xa5: {  	[sflag:s24] =	ssyncset.done $0x0  }
0xa6: {  	s25 =	simm.s32 $0x1B8E;
	[sflag:s24] =	ssyncadd.s32 $0xFFFFFFFF  }
0xa7: {  	s26 =	simm.s32 $execute0_lowered;
	[smem:$0x3FD2] =	sst s25  }
0xa8: {  	s6 =	sshll.u32 s26, $0x1;
	_ =	strace $0x80000046;
	[dreg:$0x1] =	wrdreg $0xFFFFFFFF  }
0xa9: {  	s28 =	simm.s32 $_size_execute0_lowered;
	s5 =	sadd.s32 s5, s6;
	[dreg:$0x0] =	wrdreg $0x0  }
0xaa: {  	s6 =	sshll.u32 s28, $0x1;
	[dreg:$0x2] =	wrdreg s5  }
0xab: {  	[dreg:$0x3] =	wrdreg s6  }
0xac: {  	[dreg:$0x4] =	wrdreg $0xC0  }
0xad: {  	_ =	task [dreg:s9], $0x5FFFF  }
0xae: {  	[dreg:$0x1] =	wrdreg $0xFFFFFFFF  }
0xaf: {  	[dreg:$0x0] =	wrdreg $0x60  }
0xb0: {  	[dreg:$0x2] =	wrdreg s19  }
0xb1: {  	[dreg:$0x3] =	wrdreg s2  }
0xb2: {  	[dreg:$0x4] =	wrdreg s4  }
0xb3: {  	[dreg:$0x5] =	wrdreg $0x9  }
0xb4: {  	_ =	task.clear_ibuf [dreg:s9], $0x6FFFF;
	_ =	strace $0x90000046  }
0xb5: {  	s29 =	simm.s32 $0x9;
	_ =	strace $0x80000048  }
0xb6: {  	_ =	swait.ge [sflag:s29], $0x1  }
0xb7: {  	[sflag:s29] =	ssyncadd.s32 $0xFFFFFFFF  }
0xb8: {  	_ =	strace $0x90000048  }
0xb9: {  	_ =	sfence  }
0xba: {  	s30 =	sld [smem:$0x0];
	_ =	sdelay $0x2  }
0xbb: {  	s31 =	sshll.u32 s1, $0xD;
	s1 =	sshrl.u32 s1, $0x2  }
0xbc: {  	s3 =	sand.u32 $0x4000, s31;
	s1 =	sadd.s32 s1, s30  }
0xbd: {  	s0 =	sor.u32 s3, s0;
	s1 =	sshll.u32 s1, $0x11  }
0xbe: {  	s0 =	sor.u32 s1, s0  }
0xbf: {  	s0 =	sadd.s32 $0x8F2B, s0  }
0xc0: {  	[sflag:s0] =	ssyncadd.remote.s32 $0x1  }
0xc1: {  	_ =	sfence.sel $0xFFFF  }
0xc2: {  	[dreg:$0x0] =	wrdreg $0xFFFFFFFF;
	(pc) =	sbr.abs _section_cstart, $3  }
0xc3: {  	[dreg:$0x1] =	wrdreg $0xFFFFFFFF  }
0xc4: {  	_ =	task.clear_ibuf [dreg:s9], $0x2FFFF;
	_ =	strace $0x9FFFFFFF  }
0xc5: {  	(tm) =	ssettm $0x7FFFFFFF  }
tec
execute0_lowered:
.L_overlay_start_1:
0x0: {  	(tag) =	ssettag $0x1  }
0x1: {  	s1 =	srdreg.scid  }
0x2: {  	s1 =	sand.u32 $0x1, s1  }
0x3: {  	p0 =	seq.s32 s1, $0x1  }
.Ltmp0:
0x4: {  	s4 =	rddreg [dreg:$0x0];
	(pc) =	sbr.rel @p0 .LBB2_2-.Ltmp0, $4  }
0x5: {  	s5 =	rddreg [dreg:$0x1]  }
0x6: {  	s2 =	rddreg [dreg:$0x2];
	s3 =	simm.s32 $0x0  }
0x7: {  	[smem:$0x7FF] =	sst s3  }
0x8: {  	s0 =	rddreg [dreg:$0x3];
	_ =	strace $0x80000047;
	s1 =	stileid.u32  }
0x9: {  	[tilespmem:s3], [sflag:$0x1] =	stream.linear.gather [hbm4b:s4+s3], $0x100, $0x38;
	[tilespmem:$0x280] =	vst v63  }
0xa: {  	s29 =	simm.s32 $0x1  }
0xb: {  	_ =	swait.ge [sflag:s29], $0x100  }
0xc: {  	[sflag:s29] =	ssyncset.done $0x0  }
0xd: {  	s6 =	simm.s32 $0x100;
	[sflag:s29] =	ssyncadd.s32 $0xFFFFFF00  }
0xe: {  	[tilespmem:s6], [sflag:$0x1] =	stream.linear.gather [hbm4b:s5+s3], $0x100, $0x38;
	[tilespmem:$0x280] =	vst v63  }
0xf: {  	_ =	swait.ge [sflag:s29], $0x100  }
0x10: {  	[sflag:s29] =	ssyncset.done $0x0  }
0x11: {  	[sflag:s29] =	ssyncadd.s32 $0xFFFFFF00  }
0x12: {  	v0 =	vld [tilespmem:$0x0]  }
0x13: {  	v1 =	vld [tilespmem:$0x100]  }
0x14: {  	v2 =	vld [tilespmem:$0x80]  }
0x15: {  	v3 =	vld [tilespmem:$0x180]  }
0x16: {  	v4 =	vld [tilespmem:$0x10]  }
0x17: {  	v5 =	vld [tilespmem:$0x110]  }
0x18: {  	v6 =	vld [tilespmem:$0x90]  }
0x19: {  	v7 =	vld [tilespmem:$0x190]  }
0x1a: {  	v8 =	vld [tilespmem:$0x20]  }
0x1b: {  	v9 =	vld [tilespmem:$0x120]  }
0x1c: {  	v10 =	vld [tilespmem:$0xA0]  }
0x1d: {  	v11 =	vld [tilespmem:$0x1A0]  }
0x1e: {  	v12 =	vld [tilespmem:$0x30]  }
0x1f: {  	v13 =	vld [tilespmem:$0x130]  }
0x20: {  	v14 =	vld [tilespmem:$0xB0]  }
0x21: {  	v16 =	vld [tilespmem:$0x40]  }
0x22: {  	v17 =	vld [tilespmem:$0x140]  }
0x23: {  	v18 =	vld [tilespmem:$0xC0]  }
0x24: {  	v20 =	vld [tilespmem:$0x50]  }
0x25: {  	v38 =	vld [tilespmem:$0x150]  }
0x26: {  	v40 =	vld [tilespmem:$0xD0]  }
0x27: {  	v43 =	vld [tilespmem:$0x60];
	v1 =	vadd.f32 $0.0e+00, v1;
	vm0 =	veq.s32 v0, s1  }
0x28: {  	v47 =	vld [tilespmem:$0xE0];
	vm14 =	veq.s32 v2, s1;
	v39 =	vadd.f32 $0.0e+00, v5;
	vm15 =	veq.s32 v4, s1  }
0x29: {  	v52 =	vld [tilespmem:$0x170];
	vm1 =	veq.s32 v6, s1;
	v42 =	vadd.f32 $0.0e+00, v9;
	vm4 =	veq.s32 v8, s1  }
0x2a: {  	v15 =	vld [tilespmem:$0x1B0];
	vm5 =	veq.s32 v10, s1;
	v46 =	vadd.f32 $0.0e+00, v13;
	vm6 =	veq.s32 v12, s1  }
0x2b: {  	v19 =	vld [tilespmem:$0x1C0];
	vm7 =	veq.s32 v14, s1;
	v50 =	vadd.f32 $0.0e+00, v17;
	vm8 =	veq.s32 v16, s1  }
0x2c: {  	v41 =	vld [tilespmem:$0x1D0];
	vm9 =	veq.s32 v18, s1;
	v0 =	vadd.f32 $0.0e+00, v38;
	vm10 =	veq.s32 v20, s1  }
0x2d: {  	v51 =	vld [tilespmem:$0x70];
	vm11 =	veq.s32 v40, s1;
	vm12 =	veq.s32 v43, s1;
	vm13 =	veq.s32 v47, s1  }
0x2e: {  	v44 =	vld [tilespmem:$0x160];
	v60 =	vadd.f32 $0.0e+00, v52;
	v3 =	vnsel vm14, $0x0, v3;
	v6 =	vnsel vm1, $0x0, v7  }
0x2f: {  	v48 =	vld [tilespmem:$0x1E0];
	v10 =	vnsel vm5, $0x0, v11;
	v49 =	vnsel vm7, $0x0, v15;
	v1 =	vnsel vm0, $0x0, v1  }
0x30: {  	v54 =	vld [tilespmem:$0xF0];
	v55 =	vnsel vm9, $0x0, v19;
	v2 =	vnsel vm15, $0x0, v39;
	v1 =	vadd.f32 v3, v1  }
0x31: {  	v56 =	vld [tilespmem:$0x1F0];
	v57 =	vnsel vm11, $0x0, v41;
	v45 =	vnsel vm4, $0x0, v42;
	v2 =	vadd.f32 v6, v2  }
0x32: {  	vm14 =	veq.s32 v51, s1;
	v7 =	vnsel vm6, $0x0, v46;
	v6 =	vadd.f32 v10, v45;
	[tilespmem:$0x200] =	vst v1  }
0x33: {  	v53 =	vnsel vm8, $0x0, v50;
	v7 =	vadd.f32 v49, v7;
	v3 =	vadd.f32 $0.0e+00, v44;
	[tilespmem:$0x210] =	vst v2  }
0x34: {  	v61 =	vnsel vm13, $0x0, v48;
	v0 =	vnsel vm10, $0x0, v0;
	v58 =	vadd.f32 v55, v53;
	[tilespmem:$0x220] =	vst v6  }
0x35: {  	vm15 =	veq.s32 v54, s1;
	v0 =	vadd.f32 v57, v0;
	v59 =	vnsel vm12, $0x0, v3;
	[tilespmem:$0x230] =	vst v7  }
0x36: {  	v62 =	vnsel vm15, $0x0, v56;
	v3 =	vnsel vm14, $0x0, v60;
	[tilespmem:$0x240] =	vst v58;
	v1 =	vadd.f32 v61, v59  }
0x37: {  	[tilespmem:$0x250] =	vst v0;
	v63 =	vadd.f32 v62, v3  }
0x38: {  	s30 =	sshll.u32 s1, $0x4;
	[tilespmem:$0x260] =	vst v1  }
0x39: {  	s31 =	simm.s32 $0x200;
	s2 =	sadd.s32 s2, s30;
	[tilespmem:$0x270] =	vst v63  }
0x3a: {  	[hbm4b:s2+s3] =	stream.linear.scatter [tilespmem:s31], [sflag:$0x1], $0x80, $0x38;
	[tilespmem:$0x280] =	vst v63  }
0x3b: {  	_ =	swait.ge [sflag:s29], $0x80  }
0x3c: {  	[sflag:s29] =	ssyncset.done $0x0  }
0x3d: {  	[sflag:s29] =	ssyncadd.s32 $0xFFFFFF80  }
.LBB2_2:
0x3e: {  	_ =	sfence.sel $0x180000  }
0x3f: {  	[bflag:$0x0] =	sbarrier.arrive $0xFFFF  }
0x40: {  	p0 =	sne.s32 s1, $0x0;
	_ =	strace $0x90000047  }
0x41: {  	s0 =	sadd.s32 @!p0 $0x100000, s0;
	[bflag:$0x2] =	sbarrier.arrive $0xFFFF  }
0x42: {  	[sflag:s0] =	ssyncadd.tile.s32 @!p0 $0x1;
	_ =	shalt  }
.Lfunc_end2:
_tile_overlayer_lowered:
.L_overlay_start_2:
0x43: {  	(tag) =	ssettag $0x2  }
0x44: {  	s0 =	rddreg [dreg:$0x0];
	s2 =	stileid.u32  }
0x45: {  	s1 =	rddreg [dreg:$0x1];
	p0 =	sne.s32 s2, $0x0  }
0x46: {  	s3 =	rddreg [dreg:$0x2];
	[bflag:$0x3] =	sbarrier.arrive $0xFFFF;
	s2 =	simm.s32 @!p0 $0x1C01  }
0x47: {  	[timem:s3], [sflag:s2] =	dma.local @!p0 [hbm:s0], s1  }
0x48: {  	s0 =	simm.s32 @!p0 $0x1  }
0x49: {  	_ =	swait.ge @!p0 [sflag:s0], s1  }
0x4a: {  	s1 =	ssub.s32 @!p0 $0x0, s1;
	[sflag:s0] =	ssyncset.done @!p0 $0x0  }
0x4b: {  	[sflag:s0] =	ssyncadd.s32 @!p0 s1  }
0x4c: {  	[bflag:$0x3] =	sbarrier.arrive $0xFFFF  }
0x4d: {  	_ =	shalt  }

</sc_bundles>
